<compile_context>
chip_gen: v7x
topology: tpu7x:2x2x1
jax: 0.10.2.dev20260603
libtpu: 0.0.44.dev20260713+nightly
codegen_flags: <defaults>
</compile_context>

<pallas_src>
import jax
import jax.numpy as jnp
import numpy as np
from jax.experimental import pallas as pl

jax.config.update("jax_enable_x64", True)

_I0 = np.int32(0)


def _ord_kernel(x_ref, ord_ref, dec_ref):
    i = pl.program_id(1)
    lo_c = jnp.asarray(1e-8, jnp.float32)
    hi_c = jnp.asarray(10000.0, jnp.float32)
    a = jnp.clip(x_ref[0, 0, :, :], lo_c, hi_c)
    b = jnp.clip(x_ref[0, 1, :, :], lo_c, hi_c)
    d = b - a
    s = jax.nn.sigmoid(d)

    bits = jax.lax.bitcast_convert_type(s, jnp.int32)
    c23 = jnp.asarray(23, jnp.int32)
    c896 = jnp.asarray(896, jnp.int32)
    c20 = jnp.asarray(20, jnp.int32)
    c3 = jnp.asarray(3, jnp.int32)
    cman = jnp.asarray(0x7FFFFF, jnp.int32)
    zero = jnp.asarray(0, jnp.int32)

    exp = jax.lax.shift_right_logical(bits, c23)
    man = jax.lax.bitwise_and(bits, cman)
    hi_w = jax.lax.bitwise_or(
        jax.lax.shift_left(exp + c896, c20),
        jax.lax.shift_right_logical(man, c3),
    )
    hi_w = jnp.where(exp == zero, zero, hi_w)
    lo_w = jax.lax.shift_left(jax.lax.bitwise_and(man, jnp.asarray(7, jnp.int32)), jnp.asarray(29, jnp.int32))
    lo_w = jnp.where(exp == zero, zero, lo_w)

    bh, w = hi_w.shape
    one = jnp.asarray(1, jnp.int32)
    lane = jax.lax.broadcasted_iota(jnp.int32, (bh, 128), 1)
    parity = jax.lax.bitwise_and(lane, one)
    halfidx = jax.lax.shift_right_logical(lane, one)
    dnums = jax.lax.GatherDimensionNumbers(
        offset_dims=(),
        collapsed_slice_dims=(1,),
        start_index_map=(1,),
        operand_batching_dims=(0,),
        start_indices_batching_dims=(0,),
    )

    def _vreg_gather(srcv, idx):
        return jax.lax.gather(
            srcv,
            idx[..., None],
            dimension_numbers=dnums,
            slice_sizes=(1, 1),
            unique_indices=False,
            indices_are_sorted=False,
            mode=jax.lax.GatherScatterMode.PROMISE_IN_BOUNDS,
        )

    groups = []
    for g in range(2 * w // 128):
        j, half = g // 2, g % 2
        idx = halfidx + jnp.asarray(64 * half, jnp.int32)
        lov = lo_w[:, 128 * j:128 * (j + 1)]
        hiv = hi_w[:, 128 * j:128 * (j + 1)]
        ga = _vreg_gather(lov, idx)
        gb = _vreg_gather(hiv, idx)
        groups.append(jnp.where(parity == zero, ga, gb))
    inter = jnp.concatenate(groups, axis=1)
    ord_ref[0, 0, :, :] = inter

    cnt = (d > 0).astype(jnp.int32)

    @pl.when(i == 0)
    def _init():
        dec_ref[0, 0, :, :] = cnt

    @pl.when(i != 0)
    def _acc():
        dec_ref[0, 0, :, :] += cnt


def kernel(x):
    N, C, H, W = x.shape
    ord_num = C // 2
    ord_hi, dec32 = pl.pallas_call(
        _ord_kernel,
        grid=(N, ord_num),
        in_specs=[pl.BlockSpec((1, 2, H, W), lambda n, i: (n, i, _I0, _I0))],
        out_specs=[
            pl.BlockSpec((1, 1, H, 2 * W), lambda n, i: (n, i, _I0, _I0)),
            pl.BlockSpec((1, 1, H, W), lambda n, i: (n, _I0, _I0, _I0)),
        ],
        out_shape=[
            jax.ShapeDtypeStruct((N, ord_num, H, 2 * W), jnp.int32),
            jax.ShapeDtypeStruct((N, 1, H, W), jnp.int32),
        ],
    )(x)
    ord64 = jax.lax.bitcast_convert_type(
        ord_hi.reshape(N, ord_num, H, W, 2), jnp.float64
    )
    return (dec32.astype(jnp.int64), ord64)

# --- scband reference (transcript-rebuilt; emitter-appended) ---
"""Pipeline reference for scband-ordinal-layer-12850542149872 (READ-ONLY COPY).

The authoritative reference and input builder live on the scoring server;
editing this copy changes nothing except your own understanding.
"""

import jax, jax.numpy as jnp
import numpy as np

jax.config.update("jax_enable_x64", True)


def setup_inputs(seed: int = 0) -> dict:
    key = jax.random.key(seed)
    x = jax.random.normal(key, (2, 192, 384, 384), dtype=jnp.float32)
    return {"x": x}


def reference(x):
    N, C, H, W = x.shape
    ord_num = C // 2
    A = x[:, ::2, :, :]
    B = x[:, 1::2, :, :]
    A = A.reshape(N, 1, ord_num * H * W)
    B = B.reshape(N, 1, ord_num * H * W)
    Cc = jnp.concatenate((A, B), axis=1)
    Cc = jnp.clip(Cc, 1e-08, 10000.0)
    Cc = Cc.astype(jnp.float64)
    ord_c = jax.nn.softmax(Cc, axis=1)
    ord_c1 = ord_c[:, 1, :].reshape(-1, ord_num, H, W)
    decode_c = jnp.sum(ord_c1 > 0.5, axis=1).reshape(-1, 1, H, W)
    return (decode_c, ord_c1)

if __name__ == "__main__":
    import jax
    _d = setup_inputs()
    print(jax.jit(kernel)(*tuple(_d.values())))

</pallas_src>

<mosaic_0001>
module attributes {stable_mosaic.version = 14 : i64} {
  func.func @_ord_kernel(%arg0: i32, %arg1: i32, %arg2: memref<1x2x384x384xf32, #tpu.memory_space<vmem>>, %arg3: memref<1x1x384x768xi32, #tpu.memory_space<vmem>>, %arg4: memref<1x1x384x384xi32, #tpu.memory_space<vmem>>) attributes {dimension_semantics = [#tpu.dimension_semantics<arbitrary>, #tpu.dimension_semantics<arbitrary>], iteration_bounds = array<i64: 2, 96>, scalar_prefetch = 0 : i64, scratch_operands = 0 : i64, tpu.core_type = #tpu.core_type<tc>, window_params = [{transform_indices = @transform_0, window_bounds = array<i64: 1, 2, 384, 384>}, {transform_indices = @transform_1, window_bounds = array<i64: 1, 1, 384, 768>}, {transform_indices = @transform_2, window_bounds = array<i64: 1, 1, 384, 384>}]} {
    %get3A = arith.constant 0 : index
    %get3A_0 = arith.constant 0 : index
    %get3A_1 = arith.constant 0 : index
    %get3A_2 = arith.constant 0 : index
    %get3A_3 = vector.load %arg2[%get3A, %get3A_0, %get3A_1, %get3A_2] : memref<1x2x384x384xf32, #tpu.memory_space<vmem>>, vector<1x1x384x384xf32>
    %get3A_4 = vector.shape_cast %get3A_3 : vector<1x1x384x384xf32> to vector<384x384xf32>
    %jit3A = arith.constant 9.99999993E-9 : f32
    %jit3A_5 = arith.constant 1.000000e+04 : f32
    %max3A = vector.broadcast %jit3A : f32 to vector<384x384xf32>
    %max3A_6 = arith.maximumf %max3A, %get3A_4 : vector<384x384xf32>
    %min3A = vector.broadcast %jit3A_5 : f32 to vector<384x384xf32>
    %min3A_7 = arith.minimumf %min3A, %max3A_6 : vector<384x384xf32>
    %get3A_8 = arith.constant 0 : index
    %get3A_9 = arith.constant 1 : index
    %get3A_10 = arith.constant 0 : index
    %get3A_11 = arith.constant 0 : index
    %get3A_12 = vector.load %arg2[%get3A_8, %get3A_9, %get3A_10, %get3A_11] : memref<1x2x384x384xf32, #tpu.memory_space<vmem>>, vector<1x1x384x384xf32>
    %get3A_13 = vector.shape_cast %get3A_12 : vector<1x1x384x384xf32> to vector<384x384xf32>
    %jit3A_14 = arith.constant 9.99999993E-9 : f32
    %jit3A_15 = arith.constant 1.000000e+04 : f32
    %max3A_16 = vector.broadcast %jit3A_14 : f32 to vector<384x384xf32>
    %max3A_17 = arith.maximumf %max3A_16, %get3A_13 : vector<384x384xf32>
    %min3A_18 = vector.broadcast %jit3A_15 : f32 to vector<384x384xf32>
    %min3A_19 = arith.minimumf %min3A_18, %max3A_17 : vector<384x384xf32>
    %sub3A = arith.subf %min3A_19, %min3A_7 : vector<384x384xf32>
    %logistic3A = arith.negf %sub3A : vector<384x384xf32>
    %logistic3A_20 = math.exp %logistic3A : vector<384x384xf32>
    %logistic3A_21 = arith.constant 1.000000e+00 : f32
    %logistic3A_22 = vector.broadcast %logistic3A_21 : f32 to vector<384x384xf32>
    %logistic3A_23 = arith.addf %logistic3A_22, %logistic3A_20 : vector<384x384xf32>
    %logistic3A_24 = arith.divf %logistic3A_22, %logistic3A_23 : vector<384x384xf32>
    %bitcast_convert_type3A = tpu.bitcast %logistic3A_24 : vector<384x384xf32> -> vector<384x384xi32>
    %shift_right_logical3A = arith.constant 23 : i32
    %shift_right_logical3A_25 = vector.broadcast %shift_right_logical3A : i32 to vector<384x384xi32>
    %shift_right_logical3A_26 = arith.shrui %bitcast_convert_type3A, %shift_right_logical3A_25 : vector<384x384xi32>
    %and3A = arith.constant 8388607 : i32
    %and3A_27 = vector.broadcast %and3A : i32 to vector<384x384xi32>
    %and3A_28 = arith.andi %bitcast_convert_type3A, %and3A_27 : vector<384x384xi32>
    %add3A = arith.constant 896 : i32
    %add3A_29 = vector.broadcast %add3A : i32 to vector<384x384xi32>
    %add3A_30 = arith.addi %shift_right_logical3A_26, %add3A_29 : vector<384x384xi32>
    %shift_left3A = arith.constant 20 : i32
    %shift_left3A_31 = vector.broadcast %shift_left3A : i32 to vector<384x384xi32>
    %shift_left3A_32 = arith.shli %add3A_30, %shift_left3A_31 : vector<384x384xi32>
    %shift_right_logical3A_33 = arith.constant 3 : i32
    %shift_right_logical3A_34 = vector.broadcast %shift_right_logical3A_33 : i32 to vector<384x384xi32>
    %shift_right_logical3A_35 = arith.shrui %and3A_28, %shift_right_logical3A_34 : vector<384x384xi32>
    %or3A = arith.ori %shift_left3A_32, %shift_right_logical3A_35 : vector<384x384xi32>
    %eq3A = arith.constant 0 : i32
    %eq3A_36 = vector.broadcast %eq3A : i32 to vector<384x384xi32>
    %eq3A_37 = arith.cmpi eq, %shift_right_logical3A_26, %eq3A_36 : vector<384x384xi32>
    %jit3A_38 = arith.constant 0 : i32
    %broadcast_in_dim3A = vector.broadcast %jit3A_38 : i32 to vector<384x384xi32>
    %select_n3A = arith.select %eq3A_37, %broadcast_in_dim3A, %or3A : vector<384x384xi1>, vector<384x384xi32>
    %and3A_39 = arith.constant 7 : i32
    %and3A_40 = vector.broadcast %and3A_39 : i32 to vector<384x384xi32>
    %and3A_41 = arith.andi %and3A_28, %and3A_40 : vector<384x384xi32>
    %shift_left3A_42 = arith.constant 29 : i32
    %shift_left3A_43 = vector.broadcast %shift_left3A_42 : i32 to vector<384x384xi32>
    %shift_left3A_44 = arith.shli %and3A_41, %shift_left3A_43 : vector<384x384xi32>
    %eq3A_45 = arith.constant 0 : i32
    %eq3A_46 = vector.broadcast %eq3A_45 : i32 to vector<384x384xi32>
    %eq3A_47 = arith.cmpi eq, %shift_right_logical3A_26, %eq3A_46 : vector<384x384xi32>
    %jit3A_48 = arith.constant 0 : i32
    %broadcast_in_dim3A_49 = vector.broadcast %jit3A_48 : i32 to vector<384x384xi32>
    %select_n3A_50 = arith.select %eq3A_47, %broadcast_in_dim3A_49, %shift_left3A_44 : vector<384x384xi1>, vector<384x384xi32>
    %iota3A = tpu.iota {dimensions = array<i32: 1>} : vector<384x128xi32>
    %and3A_51 = arith.constant 1 : i32
    %and3A_52 = vector.broadcast %and3A_51 : i32 to vector<384x128xi32>
    %and3A_53 = arith.andi %iota3A, %and3A_52 : vector<384x128xi32>
    %shift_right_logical3A_54 = arith.constant 1 : i32
    %shift_right_logical3A_55 = vector.broadcast %shift_right_logical3A_54 : i32 to vector<384x128xi32>
    %shift_right_logical3A_56 = arith.shrui %iota3A, %shift_right_logical3A_55 : vector<384x128xi32>
    %add3A_57 = arith.constant 0 : i32
    %add3A_58 = vector.broadcast %add3A_57 : i32 to vector<384x128xi32>
    %add3A_59 = arith.addi %shift_right_logical3A_56, %add3A_58 : vector<384x128xi32>
    %slice3A = vector.extract_strided_slice %select_n3A_50 {offsets = [0, 0], sizes = [384, 128], strides = [1, 1]} : vector<384x384xi32> to vector<384x128xi32>
    %slice3A_60 = vector.extract_strided_slice %select_n3A {offsets = [0, 0], sizes = [384, 128], strides = [1, 1]} : vector<384x384xi32> to vector<384x128xi32>
    %broadcast_in_dim3A_61 = vector.shape_cast %add3A_59 : vector<384x128xi32> to vector<384x128x1xi32>
    %gather3A = vector.shape_cast %broadcast_in_dim3A_61 : vector<384x128x1xi32> to vector<384x128xi32>
    %gather3A_62 = tpu.dynamic_gather %slice3A[%gather3A] in [1] : vector<384x128xi32>, vector<384x128xi32> -> vector<384x128xi32>
    %broadcast_in_dim3A_63 = vector.shape_cast %add3A_59 : vector<384x128xi32> to vector<384x128x1xi32>
    %gather3A_64 = vector.shape_cast %broadcast_in_dim3A_63 : vector<384x128x1xi32> to vector<384x128xi32>
    %gather3A_65 = tpu.dynamic_gather %slice3A_60[%gather3A_64] in [1] : vector<384x128xi32>, vector<384x128xi32> -> vector<384x128xi32>
    %eq3A_66 = arith.constant 0 : i32
    %eq3A_67 = vector.broadcast %eq3A_66 : i32 to vector<384x128xi32>
    %eq3A_68 = arith.cmpi eq, %and3A_53, %eq3A_67 : vector<384x128xi32>
    %select_n3A_69 = arith.select %eq3A_68, %gather3A_62, %gather3A_65 : vector<384x128xi1>, vector<384x128xi32>
    %add3A_70 = arith.constant 64 : i32
    %add3A_71 = vector.broadcast %add3A_70 : i32 to vector<384x128xi32>
    %add3A_72 = arith.addi %shift_right_logical3A_56, %add3A_71 : vector<384x128xi32>
    %slice3A_73 = vector.extract_strided_slice %select_n3A_50 {offsets = [0, 0], sizes = [384, 128], strides = [1, 1]} : vector<384x384xi32> to vector<384x128xi32>
    %slice3A_74 = vector.extract_strided_slice %select_n3A {offsets = [0, 0], sizes = [384, 128], strides = [1, 1]} : vector<384x384xi32> to vector<384x128xi32>
    %broadcast_in_dim3A_75 = vector.shape_cast %add3A_72 : vector<384x128xi32> to vector<384x128x1xi32>
    %gather3A_76 = vector.shape_cast %broadcast_in_dim3A_75 : vector<384x128x1xi32> to vector<384x128xi32>
    %gather3A_77 = tpu.dynamic_gather %slice3A_73[%gather3A_76] in [1] : vector<384x128xi32>, vector<384x128xi32> -> vector<384x128xi32>
    %broadcast_in_dim3A_78 = vector.shape_cast %add3A_72 : vector<384x128xi32> to vector<384x128x1xi32>
    %gather3A_79 = vector.shape_cast %broadcast_in_dim3A_78 : vector<384x128x1xi32> to vector<384x128xi32>
    %gather3A_80 = tpu.dynamic_gather %slice3A_74[%gather3A_79] in [1] : vector<384x128xi32>, vector<384x128xi32> -> vector<384x128xi32>
    %eq3A_81 = arith.constant 0 : i32
    %eq3A_82 = vector.broadcast %eq3A_81 : i32 to vector<384x128xi32>
    %eq3A_83 = arith.cmpi eq, %and3A_53, %eq3A_82 : vector<384x128xi32>
    %select_n3A_84 = arith.select %eq3A_83, %gather3A_77, %gather3A_80 : vector<384x128xi1>, vector<384x128xi32>
    %add3A_85 = arith.constant 0 : i32
    %add3A_86 = vector.broadcast %add3A_85 : i32 to vector<384x128xi32>
    %add3A_87 = arith.addi %shift_right_logical3A_56, %add3A_86 : vector<384x128xi32>
    %slice3A_88 = vector.extract_strided_slice %select_n3A_50 {offsets = [0, 128], sizes = [384, 128], strides = [1, 1]} : vector<384x384xi32> to vector<384x128xi32>
    %slice3A_89 = vector.extract_strided_slice %select_n3A {offsets = [0, 128], sizes = [384, 128], strides = [1, 1]} : vector<384x384xi32> to vector<384x128xi32>
    %broadcast_in_dim3A_90 = vector.shape_cast %add3A_87 : vector<384x128xi32> to vector<384x128x1xi32>
    %gather3A_91 = vector.shape_cast %broadcast_in_dim3A_90 : vector<384x128x1xi32> to vector<384x128xi32>
    %gather3A_92 = tpu.dynamic_gather %slice3A_88[%gather3A_91] in [1] : vector<384x128xi32>, vector<384x128xi32> -> vector<384x128xi32>
    %broadcast_in_dim3A_93 = vector.shape_cast %add3A_87 : vector<384x128xi32> to vector<384x128x1xi32>
    %gather3A_94 = vector.shape_cast %broadcast_in_dim3A_93 : vector<384x128x1xi32> to vector<384x128xi32>
    %gather3A_95 = tpu.dynamic_gather %slice3A_89[%gather3A_94] in [1] : vector<384x128xi32>, vector<384x128xi32> -> vector<384x128xi32>
    %eq3A_96 = arith.constant 0 : i32
    %eq3A_97 = vector.broadcast %eq3A_96 : i32 to vector<384x128xi32>
    %eq3A_98 = arith.cmpi eq, %and3A_53, %eq3A_97 : vector<384x128xi32>
    %select_n3A_99 = arith.select %eq3A_98, %gather3A_92, %gather3A_95 : vector<384x128xi1>, vector<384x128xi32>
    %add3A_100 = arith.constant 64 : i32
    %add3A_101 = vector.broadcast %add3A_100 : i32 to vector<384x128xi32>
    %add3A_102 = arith.addi %shift_right_logical3A_56, %add3A_101 : vector<384x128xi32>
    %slice3A_103 = vector.extract_strided_slice %select_n3A_50 {offsets = [0, 128], sizes = [384, 128], strides = [1, 1]} : vector<384x384xi32> to vector<384x128xi32>
    %slice3A_104 = vector.extract_strided_slice %select_n3A {offsets = [0, 128], sizes = [384, 128], strides = [1, 1]} : vector<384x384xi32> to vector<384x128xi32>
    %broadcast_in_dim3A_105 = vector.shape_cast %add3A_102 : vector<384x128xi32> to vector<384x128x1xi32>
    %gather3A_106 = vector.shape_cast %broadcast_in_dim3A_105 : vector<384x128x1xi32> to vector<384x128xi32>
    %gather3A_107 = tpu.dynamic_gather %slice3A_103[%gather3A_106] in [1] : vector<384x128xi32>, vector<384x128xi32> -> vector<384x128xi32>
    %broadcast_in_dim3A_108 = vector.shape_cast %add3A_102 : vector<384x128xi32> to vector<384x128x1xi32>
    %gather3A_109 = vector.shape_cast %broadcast_in_dim3A_108 : vector<384x128x1xi32> to vector<384x128xi32>
    %gather3A_110 = tpu.dynamic_gather %slice3A_104[%gather3A_109] in [1] : vector<384x128xi32>, vector<384x128xi32> -> vector<384x128xi32>
    %eq3A_111 = arith.constant 0 : i32
    %eq3A_112 = vector.broadcast %eq3A_111 : i32 to vector<384x128xi32>
    %eq3A_113 = arith.cmpi eq, %and3A_53, %eq3A_112 : vector<384x128xi32>
    %select_n3A_114 = arith.select %eq3A_113, %gather3A_107, %gather3A_110 : vector<384x128xi1>, vector<384x128xi32>
    %add3A_115 = arith.constant 0 : i32
    %add3A_116 = vector.broadcast %add3A_115 : i32 to vector<384x128xi32>
    %add3A_117 = arith.addi %shift_right_logical3A_56, %add3A_116 : vector<384x128xi32>
    %slice3A_118 = vector.extract_strided_slice %select_n3A_50 {offsets = [0, 256], sizes = [384, 128], strides = [1, 1]} : vector<384x384xi32> to vector<384x128xi32>
    %slice3A_119 = vector.extract_strided_slice %select_n3A {offsets = [0, 256], sizes = [384, 128], strides = [1, 1]} : vector<384x384xi32> to vector<384x128xi32>
    %broadcast_in_dim3A_120 = vector.shape_cast %add3A_117 : vector<384x128xi32> to vector<384x128x1xi32>
    %gather3A_121 = vector.shape_cast %broadcast_in_dim3A_120 : vector<384x128x1xi32> to vector<384x128xi32>
    %gather3A_122 = tpu.dynamic_gather %slice3A_118[%gather3A_121] in [1] : vector<384x128xi32>, vector<384x128xi32> -> vector<384x128xi32>
    %broadcast_in_dim3A_123 = vector.shape_cast %add3A_117 : vector<384x128xi32> to vector<384x128x1xi32>
    %gather3A_124 = vector.shape_cast %broadcast_in_dim3A_123 : vector<384x128x1xi32> to vector<384x128xi32>
    %gather3A_125 = tpu.dynamic_gather %slice3A_119[%gather3A_124] in [1] : vector<384x128xi32>, vector<384x128xi32> -> vector<384x128xi32>
    %eq3A_126 = arith.constant 0 : i32
    %eq3A_127 = vector.broadcast %eq3A_126 : i32 to vector<384x128xi32>
    %eq3A_128 = arith.cmpi eq, %and3A_53, %eq3A_127 : vector<384x128xi32>
    %select_n3A_129 = arith.select %eq3A_128, %gather3A_122, %gather3A_125 : vector<384x128xi1>, vector<384x128xi32>
    %add3A_130 = arith.constant 64 : i32
    %add3A_131 = vector.broadcast %add3A_130 : i32 to vector<384x128xi32>
    %add3A_132 = arith.addi %shift_right_logical3A_56, %add3A_131 : vector<384x128xi32>
    %slice3A_133 = vector.extract_strided_slice %select_n3A_50 {offsets = [0, 256], sizes = [384, 128], strides = [1, 1]} : vector<384x384xi32> to vector<384x128xi32>
    %slice3A_134 = vector.extract_strided_slice %select_n3A {offsets = [0, 256], sizes = [384, 128], strides = [1, 1]} : vector<384x384xi32> to vector<384x128xi32>
    %broadcast_in_dim3A_135 = vector.shape_cast %add3A_132 : vector<384x128xi32> to vector<384x128x1xi32>
    %gather3A_136 = vector.shape_cast %broadcast_in_dim3A_135 : vector<384x128x1xi32> to vector<384x128xi32>
    %gather3A_137 = tpu.dynamic_gather %slice3A_133[%gather3A_136] in [1] : vector<384x128xi32>, vector<384x128xi32> -> vector<384x128xi32>
    %broadcast_in_dim3A_138 = vector.shape_cast %add3A_132 : vector<384x128xi32> to vector<384x128x1xi32>
    %gather3A_139 = vector.shape_cast %broadcast_in_dim3A_138 : vector<384x128x1xi32> to vector<384x128xi32>
    %gather3A_140 = tpu.dynamic_gather %slice3A_134[%gather3A_139] in [1] : vector<384x128xi32>, vector<384x128xi32> -> vector<384x128xi32>
    %eq3A_141 = arith.constant 0 : i32
    %eq3A_142 = vector.broadcast %eq3A_141 : i32 to vector<384x128xi32>
    %eq3A_143 = arith.cmpi eq, %and3A_53, %eq3A_142 : vector<384x128xi32>
    %select_n3A_144 = arith.select %eq3A_143, %gather3A_137, %gather3A_140 : vector<384x128xi1>, vector<384x128xi32>
    %concatenate3A = tpu.concatenate %select_n3A_69, %select_n3A_84, %select_n3A_99, %select_n3A_114, %select_n3A_129, %select_n3A_144 in 1 : vector<384x128xi32>, vector<384x128xi32>, vector<384x128xi32>, vector<384x128xi32>, vector<384x128xi32>, vector<384x128xi32> -> vector<384x768xi32>
    %swap3A = arith.constant 0 : index
    %swap3A_145 = arith.constant 0 : index
    %swap3A_146 = arith.constant 0 : index
    %swap3A_147 = arith.constant 0 : index
    %swap3A_148 = vector.load %arg3[%swap3A, %swap3A_145, %swap3A_146, %swap3A_147] : memref<1x1x384x768xi32, #tpu.memory_space<vmem>>, vector<1x1x384x768xi32>
    %swap3A_149 = vector.shape_cast %swap3A_148 : vector<1x1x384x768xi32> to vector<384x768xi32>
    %swap3A_150 = vector.shape_cast %concatenate3A : vector<384x768xi32> to vector<1x1x384x768xi32>
    tpu.vector_store %arg3[%swap3A, %swap3A_145, %swap3A_146, %swap3A_147], %swap3A_150 {strides = array<i32>} : memref<1x1x384x768xi32, #tpu.memory_space<vmem>>, vector<1x1x384x768xi32>,
    %gt3A = arith.constant 0.000000e+00 : f32
    %gt3A_151 = vector.broadcast %gt3A : f32 to vector<384x384xf32>
    %gt3A_152 = arith.cmpf ogt, %sub3A, %gt3A_151 : vector<384x384xf32>
    %convert_element_type3A = arith.extui %gt3A_152 : vector<384x384xi1> to vector<384x384xi32>
    %eq3A_153 = arith.constant 0 : i32
    %eq3A_154 = arith.cmpi eq, %arg1, %eq3A_153 : i32
    %convert_element_type3A_155 = arith.extui %eq3A_154 : i1 to i32
    %cond3A = arith.constant 0 : i32
    %cond3A_156 = arith.cmpi ne, %convert_element_type3A_155, %cond3A : i32
    scf.if %cond3A_156 {
      %swap3A_161 = arith.constant 0 : index
      %swap3A_162 = arith.constant 0 : index
      %swap3A_163 = arith.constant 0 : index
      %swap3A_164 = arith.constant 0 : index
      %swap3A_165 = vector.load %arg4[%swap3A_161, %swap3A_162, %swap3A_163, %swap3A_164] : memref<1x1x384x384xi32, #tpu.memory_space<vmem>>, vector<1x1x384x384xi32>
      %swap3A_166 = vector.shape_cast %swap3A_165 : vector<1x1x384x384xi32> to vector<384x384xi32>
      %swap3A_167 = vector.shape_cast %convert_element_type3A : vector<384x384xi32> to vector<1x1x384x384xi32>
      tpu.vector_store %arg4[%swap3A_161, %swap3A_162, %swap3A_163, %swap3A_164], %swap3A_167 {strides = array<i32>} : memref<1x1x384x384xi32, #tpu.memory_space<vmem>>, vector<1x1x384x384xi32>,
    } else {
    }
    %ne3A = arith.constant 0 : i32
    %ne3A_157 = arith.cmpi ne, %arg1, %ne3A : i32
    %convert_element_type3A_158 = arith.extui %ne3A_157 : i1 to i32
    %cond3A_159 = arith.constant 0 : i32
    %cond3A_160 = arith.cmpi ne, %convert_element_type3A_158, %cond3A_159 : i32
    scf.if %cond3A_160 {
      %get3A_161 = arith.constant 0 : index
      %get3A_162 = arith.constant 0 : index
      %get3A_163 = arith.constant 0 : index
      %get3A_164 = arith.constant 0 : index
      %get3A_165 = vector.load %arg4[%get3A_161, %get3A_162, %get3A_163, %get3A_164] : memref<1x1x384x384xi32, #tpu.memory_space<vmem>>, vector<1x1x384x384xi32>
      %get3A_166 = vector.shape_cast %get3A_165 : vector<1x1x384x384xi32> to vector<384x384xi32>
      %add3A_167 = arith.addi %get3A_166, %convert_element_type3A : vector<384x384xi32>
      %swap3A_168 = arith.constant 0 : index
      %swap3A_169 = arith.constant 0 : index
      %swap3A_170 = arith.constant 0 : index
      %swap3A_171 = arith.constant 0 : index
      %swap3A_172 = vector.load %arg4[%swap3A_168, %swap3A_169, %swap3A_170, %swap3A_171] : memref<1x1x384x384xi32, #tpu.memory_space<vmem>>, vector<1x1x384x384xi32>
      %swap3A_173 = vector.shape_cast %swap3A_172 : vector<1x1x384x384xi32> to vector<384x384xi32>
      %swap3A_174 = vector.shape_cast %add3A_167 : vector<384x384xi32> to vector<1x1x384x384xi32>
      tpu.vector_store %arg4[%swap3A_168, %swap3A_169, %swap3A_170, %swap3A_171], %swap3A_174 {strides = array<i32>} : memref<1x1x384x384xi32, #tpu.memory_space<vmem>>, vector<1x1x384x384xi32>,
    } else {
    }
    return
  }
  func.func @transform_0(%arg0: i32, %arg1: i32) -> (i32, i32, i32, i32) {
    %c0_i32 = arith.constant 0 : i32
    %c0_i32_0 = arith.constant 0 : i32
    %c0_i32_1 = arith.constant 0 : i32
    return %arg0, %arg1, %c0_i32, %c0_i32_0 : i32, i32, i32, i32
  }
  func.func @transform_1(%arg0: i32, %arg1: i32) -> (i32, i32, i32, i32) {
    %c0_i32 = arith.constant 0 : i32
    %c0_i32_0 = arith.constant 0 : i32
    %c0_i32_1 = arith.constant 0 : i32
    return %arg0, %arg1, %c0_i32, %c0_i32_0 : i32, i32, i32, i32
  }
  func.func @transform_2(%arg0: i32, %arg1: i32) -> (i32, i32, i32, i32) {
    %c0_i32 = arith.constant 0 : i32
    %c0_i32_0 = arith.constant 0 : i32
    %c0_i32_1 = arith.constant 0 : i32
    %c0_i32_2 = arith.constant 0 : i32
    return %arg0, %c0_i32, %c0_i32_0, %c0_i32_1 : i32, i32, i32, i32
  }
}

</mosaic_0001>

<sc_bundles>
// kernel: sparse-core-data-format-call.cloned.1.call-start
scs
called_computation_lowered:
.L_overlay_start_0:
0x0: {  	s2 =	sld [smem:$0x3FD9]  }
0x1: {  	s3 =	sld [smem:$0x3FFE];
	_ =	sdelay $0x1  }
0x2: {  	s1 =	srdreg.scid  }
0x3: {  	s0 =	sand.u32 $0x1, s1  }
0x4: {  	s15 =	sshll.u32 s0, $0xA;
	s2 =	sadd.s32 s3, s2  }
0x5: {  	s2 =	sadd.s32 s2, s15  }
0x6: {  	[smem:$0x3FC7] =	sst s2  }
0x7: {  	_ = 	snop  }
0x8: {  	s2 =	sld [smem:$0x3FD0];
	_ =	sdelay $0x2  }
0x9: {  	s16 =	simm.s32 $0xA;
	s4 =	simm.s32 $0x10  }
0xa: {  	[smem:s4], [sflag:s16] =	dma.local [hbm:s2], $0x1  }
0xb: {  	_ =	swait.eq [sflag:s16], $0x1  }
0xc: {  	[sflag:s16] =	ssyncset.done $0x0  }
0xd: {  	[sflag:s16] =	ssyncadd.s32 $0xFFFFFFFF  }
0xe: {  	s17 =	sld [smem:$0x11];
	(tm) =	ssettm $0x1  }
0xf: {  	s18 =	sld [smem:$0x3FFB];
	_ =	sdelay $0x3  }
0x10: {  	_ =	strace s18  }
0x11: {  	s3 =	sld [smem:$0x3FFC];
	_ =	sdelay $0x3  }
0x12: {  	_ =	strace s3  }
0x13: {  	s3 =	sld [smem:$0x3FFD];
	_ =	sdelay $0x3  }
0x14: {  	_ =	strace s3  }
0x15: {  	_ =	strace $0x8FFFFFFF  }
0x16: {  	s19 =	sld [smem:$0x3FDB];
	_ =	sdelay $0x1  }
0x17: {  	s20 =	simm.s32 $_scs_section_size  }
0x18: {  	s5 =	simm.s32 $_size__tile_overlayer_lowered;
	s6 =	simm.s32 $_tile_overlayer_lowered  }
0x19: {  	s23 =	simm.s32 $0x1BFF;
	s22 =	sshll.u32 s6, $0x1;
	s3 =	sadd.s32 s20, s19  }
0x1a: {  	s7 =	simm.s32 $0x0;
	s21 =	sshll.u32 s5, $0x1;
	s5 =	sadd.s32 s22, s3  }
0x1b: {  	[timem:s7], [sflag:s23] =	dma.local [hbm:s5], s21  }
0x1c: {  	_ =	swait.ge [sflag:s23], s21  }
0x1d: {  	s4 =	ssub.s32 $0x0, s21;
	[sflag:s23] =	ssyncset.done $0x0  }
0x1e: {  	[sflag:s23] =	ssyncadd.s32 s4;
	_ =	sdelay $0x1  }
0x1f: {  	s24 =	simm.s32 $0x1B8B  }
0x20: {  	_ =	swait.ge [sflag:s24], $0x1  }
0x21: {  	[sflag:s24] =	ssyncset.done $0x0  }
0x22: {  	s26 =	simm.s32 $0x1B8E;
	s25 =	sld [smem:$0x3FFE];
	[sflag:s24] =	ssyncadd.s32 $0xFFFFFFFF  }
0x23: {  	s27 =	simm.s32 $execute0_lowered;
	[smem:$0x3FD2] =	sst s26  }
0x24: {  	s5 =	sshll.u32 s27, $0x1;
	_ =	strace $0x80000046;
	[dreg:$0x1] =	wrdreg $0xFFFFFFFF  }
0x25: {  	s28 =	simm.s32 $_size_execute0_lowered;
	s3 =	sadd.s32 s3, s5;
	[dreg:$0x0] =	wrdreg $0x0  }
0x26: {  	s5 =	sshll.u32 s28, $0x1;
	[dreg:$0x2] =	wrdreg s3  }
0x27: {  	[dreg:$0x3] =	wrdreg s5  }
0x28: {  	[dreg:$0x4] =	wrdreg $0xC0  }
0x29: {  	_ =	task [dreg:s7], $0x5FFFF  }
0x2a: {  	[dreg:$0x1] =	wrdreg $0xFFFFFFFF  }
0x2b: {  	[dreg:$0x0] =	wrdreg $0x60  }
0x2c: {  	[dreg:$0x2] =	wrdreg s25  }
0x2d: {  	[dreg:$0x3] =	wrdreg s17  }
0x2e: {  	[dreg:$0x4] =	wrdreg $0x9  }
0x2f: {  	_ =	task.clear_ibuf [dreg:s7], $0x5FFFF;
	_ =	strace $0x90000046  }
0x30: {  	s29 =	simm.s32 $0x9;
	_ =	strace $0x80000048  }
0x31: {  	_ =	swait.ge [sflag:s29], $0x1  }
0x32: {  	[sflag:s29] =	ssyncadd.s32 $0xFFFFFFFF  }
0x33: {  	_ =	strace $0x90000048  }
0x34: {  	_ =	sfence  }
0x35: {  	s30 =	sld [smem:$0x0];
	_ =	sdelay $0x2  }
0x36: {  	s31 =	sshll.u32 s1, $0xD;
	s1 =	sshrl.u32 s1, $0x2  }
0x37: {  	s3 =	sand.u32 $0x4000, s31;
	s1 =	sadd.s32 s1, s30  }
0x38: {  	s0 =	sor.u32 s3, s0;
	s1 =	sshll.u32 s1, $0x11  }
0x39: {  	s0 =	sor.u32 s1, s0  }
0x3a: {  	s0 =	sadd.s32 $0x8F2B, s0  }
0x3b: {  	[sflag:s0] =	ssyncadd.remote.s32 $0x1  }
0x3c: {  	_ =	sfence.sel $0xFFFF  }
0x3d: {  	[dreg:$0x0] =	wrdreg $0xFFFFFFFF;
	(pc) =	sbr.abs _section_cstart, $3  }
0x3e: {  	[dreg:$0x1] =	wrdreg $0xFFFFFFFF  }
0x3f: {  	_ =	task.clear_ibuf [dreg:s7], $0x2FFFF;
	_ =	strace $0x9FFFFFFF  }
0x40: {  	(tm) =	ssettm $0x7FFFFFFF  }
0x41: {  	_ =	shalt  }
tec
execute0_lowered:
.L_overlay_start_1:
0x0: {  	(tag) =	ssettag $0x1  }
0x1: {  	s4 =	rddreg [dreg:$0x0]  }
0x2: {  	s2 =	rddreg [dreg:$0x1]  }
0x3: {  	s1 =	stileid.u32;
	s0 =	rddreg [dreg:$0x2]  }
0x4: {  	_ =	strace $0x80000047;
	s6 =	srdreg.scid;
	s31 =	simm.s32 $0x2  }
0x5: {  	s15 =	simm.s32 $0x0;
	p0 =	por $0x0, $0x0;
	s9 =	simm.s32 $0x9000  }
0x6: {  	s17 =	simm.s32 $0x0;
	s18 =	simm.s32 $0x0;
	s16 =	simm.s32 $0x0  }
0x7: {  	s10 =	simm.s32 $0x0;
	s11 =	simm.s32 $0x0;
	s3 =	sand.u32 $0x1, s1  }
0x8: {  	s14 =	simm.s32 $0x0;
	s6 =	sshll.u32 s6, $0x4;
	s5 =	ssub.s32 $0x2, s3  }
.Ltmp0:
0x9: {  	s7 =	sshrl.u32 s5, $0x1;
	s5 =	sand.u32 $0x1, s5;
	(pc) =	sbr.rel .LBB1_1-.Ltmp0, $4  }
0xa: {  	s4 =	sadd.s32 $0x400, s4;
	s8 =	sand.u32 $0x10, s6;
	s7 =	sadd.s32 s5, s7  }
0xb: {  	s30 =	sor.u32 s1, s8;
	s5 =	simm.s32 $0x1;
	s6 =	smul.u32 $0x6C, s7  }
0xc: {  	s13 =	smov.u32 s3;
	[sflag:s5] =	ssyncpa.u1 $0x0;
	s7 =	sshrl.u32 s30, $0x1  }
0xd: {  	[sflag:s31] =	ssyncpa.u1 $0x0;
	s12 =	smov.u32 s7;
	s8 =	sor.u32 $0x1, s6  }
.LBB1_4:
0xe: {  	s24 =	sshrl.u32 s18, $0x3  }
0xf: {  	s25 =	sshll.u32 s17, $0x3;
	s24 =	smul.u32 $0xC00, s24  }
0x10: {  	s26 =	sshll.u32 s18, $0x7;
	s25 =	sand.u32 $0xFFFFFC00, s25  }
0x11: {  	s18 =	sand.u32 $0x380, s26;
	s24 =	sadd.s32 s24, s25  }
0x12: {  	s27 =	sand.u32 $0x7F, s17;
	s18 =	sor.u32 s18, s24  }
0x13: {  	v5 =	vld [tilespmem:s21+$0xFFFFFFD0];
	[tilespmem:s22+$0x2040 ss:$0x81] =	vst.msk $0xffff, v4;
	s17 =	sor.u32 s27, s18;
	s18 =	smulhi.u32 $0xAAAAAAAB, s18  }
0x14: {  	v58 =	vld [tilespmem:s21+$0xFFFFFFE0];
	[tilespmem:s22+$0x2850 ss:$0x81] =	vst.msk $0xffff, v3  }
0x15: {  	s23 =	sshra.s32 s23, $0x2;
	v59 =	vld [tilespmem:s21+$0xFFFFFFF0];
	[tilespmem:s22+$0x3060 ss:$0x81] =	vst.msk $0xffff, v2;
	s28 =	smulhi.u32 $0xAAAAAAAB, s17;
	s18 =	sshrl.u32 s18, $0x8  }
0x16: {  	v60 =	vld [tilespmem:s21+$0x0];
	[tilespmem:s22+$0x0 ss:$0x81] =	vst.msk $0xffff, v0;
	s20 =	sadd.s32 s23, s20;
	s30 =	smulhi.u32 $0x2AAAAAB, s18  }
0x17: {  	v61 =	vld [tilespmem:s21+$0x10];
	s16 =	smul.u32 $0x360000, s16;
	[tilespmem:s20+$0x3870 ss:$0x81] =	vst.msk $0xffff, v1  }
0x18: {  	v62 =	vld [tilespmem:s21+$0x20];
	[tilespmem:s20+$0x810 ss:$0x81] =	vst.msk $0xffff, v5;
	s29 =	sshrl.u32 s28, $0x8;
	s23 =	smul.u32 $0x60, s30  }
0x19: {  	v63 =	vld [tilespmem:s21+$0xFFFFFFC0];
	[tilespmem:s20+$0x1020 ss:$0x81] =	vst.msk $0xffff, v58;
	s22 =	smul.u32 $0x180, s29  }
0x1a: {  	s15 =	smul.u32 $0x1200, s15;
	[tilespmem:s20+$0x1830 ss:$0x81] =	vst.msk $0xffff, v59;
	s18 =	ssub.s32 s18, s23  }
0x1b: {  	s16 =	sadd.s32 s2, s16;
	[tilespmem:s20+$0x2040 ss:$0x81] =	vst.msk $0xffff, v60;
	s17 =	ssub.s32 s17, s22;
	s18 =	smul.u32 $0x30, s18  }
0x1c: {  	s15 =	sadd.s32 s15, s16;
	[tilespmem:s20+$0x2850 ss:$0x81] =	vst.msk $0xffff, v61;
	s31 =	sand.u32 $0x7, s17  }
0x1d: {  	[tilespmem:s20+$0x3060 ss:$0x81] =	vst.msk $0xffff, v62;
	s17 =	sshrl.u32 s17, $0x3;
	s16 =	sshll.u32 s31, $0x12;
	s15 =	sadd.s32 s18, s15  }
0x1e: {  	[tilespmem:s20+$0x0 ss:$0x81] =	vst.msk $0xffff, v63;
	s16 =	sor.u32 $0x80, s16;
	s15 =	sadd.s32 s17, s15  }
0x1f: {  	[hbm4b:s15+s16] =	stream.strided.scatter [tilespmem:s19], [sflag:$0x2], $0x4000, s9, s16, $0x20;
	[tilespmem:$0x10100] =	vst v63  }
.LBB1_5:
0x20: {  	s19 =	sadd.s32 $0x80, s10  }
0x21: {  	s15 =	sadd.s32 $0x80, s11;
	s20 =	smov.u32 s11;
	p2 =	sgt.s32 s19, $0x2FF  }
0x22: {  	s20 =	smov.u32 @p2 s15  }
0x23: {  	s21 =	smov.u32 s12;
	s15 =	sadd.s32 $0x10, s12;
	p3 =	sgt.s32 s20, $0x17F  }
0x24: {  	s21 =	smov.u32 @p3 s15  }
0x25: {  	s22 =	smov.u32 s13;
	s15 =	sadd.s32 $0x2, s13;
	p4 =	sgt.s32 s21, $0x5F  }
0x26: {  	p1 =	slt.u32 s14, $0x2;
	s22 =	smov.u32 @p4 s15  }
0x27: {  	s17 =	smov.u32 s11;
	s19 =	simm.s32 @p2 $0x0;
	p2 =	sgt.s32 s22, $0x1  }
0x28: {  	s23 =	simm.s32 @!p1 $0x2;
	s22 =	smov.u32 @p2 s3;
	p2 =	sne.s32 s14, s8  }
.Ltmp1:
0x29: {  	s18 =	smov.u32 s12;
	_ =	swait.ge @!p1 [sflag:s23], $0x4000;
	(pc) =	sbr.rel @!p2 .LBB1_6-.Ltmp1, $4  }
0x2a: {  	s16 =	smov.u32 s13;
	[sflag:s23] =	ssyncset.done @!p1 $0x0;
	s20 =	simm.s32 @p3 $0x0  }
0x2b: {  	p0 =	por !p0, !p0;
	[sflag:s23] =	ssyncadd.s32 @!p1 $0xFFFFC000;
	s11 =	smov.u32 s20  }
0x2c: {  	s21 =	smov.u32 @p4 s7;
	s15 =	smov.u32 s10;
	s10 =	smov.u32 s19  }
0x2d: {  	s12 =	smov.u32 s21;
	s14 =	sadd.s32 $0x1, s14;
	s13 =	smov.u32 s22  }
.LBB1_1:
0x2e: {  	p1 =	sge.u32 s14, s6  }
0x2f: {  	s19 =	sshrl.u32 @!p1 s11, $0x3  }
0x30: {  	s20 =	sshll.u32 @!p1 s10, $0x3;
	s19 =	smul.u32 @!p1 $0x1800, s19  }
0x31: {  	s21 =	sshll.u32 @!p1 s11, $0x7;
	s20 =	sand.u32 @!p1 $0xFFFFFC00, s20  }
0x32: {  	s19 =	sadd.s32 @!p1 s19, s20;
	s20 =	sand.u32 @!p1 $0x380, s21  }
0x33: {  	s21 =	sand.u32 @!p1 $0x7F, s10;
	s19 =	sor.u32 @!p1 s20, s19  }
0x34: {  	s20 =	sor.u32 @!p1 s21, s19;
	s19 =	smulhi.u32 @!p1 $0xAAAAAAAB, s19;
	_ =	sdelay $0x1  }
0x35: {  	s21 =	smulhi.u32 @!p1 $0xAAAAAAAB, s20;
	s19 =	sshrl.u32 @!p1 s19, $0x9  }
0x36: {  	s22 =	smulhi.u32 @!p1 $0xAAAAAB, s19  }
0x37: {  	s24 =	smul.u32 @!p1 $0x360000, s13  }
0x38: {  	s21 =	sshrl.u32 @!p1 s21, $0x9;
	s22 =	smul.u32 @!p1 $0x180, s22  }
0x39: {  	s31 =	sadd.s32 $0xFFFFFFFF, s14;
	s23 =	sxor.u32 @!p1 $0xFFFFFFFF, s14;
	s21 =	smul.u32 @!p1 $0x300, s21  }
0x3a: {  	s23 =	sshll.u32 @!p1 s23, $0xE;
	s19 =	ssub.s32 @!p1 s19, s22;
	s22 =	smul.u32 @!p1 $0x9000, s12  }
0x3b: {  	s20 =	ssub.s32 @!p1 s20, s21;
	s21 =	sadd.s32 @!p1 s4, s24;
	s19 =	smul.u32 @!p1 $0x60, s19  }
0x3c: {  	s23 =	sand.u32 @!p1 $0x4000, s23;
	s21 =	sadd.s32 @!p1 s22, s21;
	s22 =	sand.u32 @!p1 $0x7, s20  }
0x3d: {  	s20 =	sshrl.u32 @!p1 s20, $0x3;
	s19 =	sadd.s32 @!p1 s19, s21;
	s21 =	sshll.u32 @!p1 s22, $0x12  }
0x3e: {  	s19 =	sadd.s32 @!p1 s20, s19;
	s20 =	sor.u32 @!p1 $0x400, s21;
	s21 =	simm.s32 @!p1 $0x1800  }
0x3f: {  	[tilespmem:s23], [sflag:$0x1] =	stream.strided.gather @!p1 [hbm4b:s19+s20], $0x4000, s21, s20, $0x38;
	[tilespmem:$0x10100] =	vst v63  }
0x40: {  	p1 =	sge.u32 s31, s6  }
.Ltmp2:
0x41: {  	_ = 	snop;
	(pc) =	sbr.rel @p1 .LBB1_5-.Ltmp2, $1  }
0x42: {  	_ =	sdelay $0x3  }
0x43: {  	s19 =	simm.s32 $0x1  }
0x44: {  	_ =	swait.ge [sflag:s5], $0x4000;
	s19 =	simm.s32 @!p0 $0x0  }
0x45: {  	[sflag:s5] =	ssyncset.done $0x0;
	s20 =	sshll.u32 s19, $0xE  }
0x46: {  	[sflag:s5] =	ssyncadd.s32 $0xFFFFC000;
	s21 =	sor.u32 $0x40, s20  }
0x47: {  	s19 =	smul.u32 $0x10200, s19;
	v0 =	vld [tilespmem:s21+$0x30]  }
0x48: {  	v1 =	vld [tilespmem:s21+$0xFFFFFFD0]  }
0x49: {  	s19 =	sshrl.u32 s19, $0x2;
	v5 =	vld [tilespmem:s21+$0xFFFFFFE0]  }
0x4a: {  	v6 =	vld [tilespmem:s21+$0xFFFFFFF0];
	s20 =	sor.u32 $0x8000, s19  }
0x4b: {  	s31 =	sand.u32 $0x1, s14;
	v4 =	vld [tilespmem:s21+$0x0];
	s22 =	sadd.s32 $0x0, s20  }
0x4c: {  	v3 =	vld [tilespmem:s21+$0x10];
	s19 =	smul.u32 $0x10200, s31;
	[tilespmem:s22+$0x3870 ss:$0x81] =	vst.msk $0xffff, v0  }
0x4d: {  	v2 =	vld [tilespmem:s21+$0x20];
	[tilespmem:s22+$0x810 ss:$0x81] =	vst.msk $0xffff, v1  }
0x4e: {  	s19 =	sshrl.u32 s19, $0x2;
	v0 =	vld [tilespmem:s21+$0xFFFFFFC0];
	[tilespmem:s22+$0x1020 ss:$0x81] =	vst.msk $0xffff, v5;
	s21 =	sadd.s32 $0x80, s21  }
0x4f: {  	s23 =	simm.s32 $0x4;
	s24 =	simm.s32 $0x8;
	s19 =	sor.u32 $0x8000, s19;
	[tilespmem:s22+$0x1830 ss:$0x81] =	vst.msk $0xffff, v6;
	v1 =	vld [tilespmem:s21+$0x30]  }
.LBB1_3:
0x50: {  	p1 =	sne.s32 s24, $0x1FC;
	v5 =	vld [tilespmem:s21+$0xFFFFFFD0];
	[tilespmem:s22+$0x2040 ss:$0x81] =	vst.msk $0xffff, v4  }
0x51: {  	v6 =	vld [tilespmem:s21+$0xFFFFFFE0];
	[tilespmem:s22+$0x2850 ss:$0x81] =	vst.msk $0xffff, v3  }
0x52: {  	s25 =	sshra.s32 s23, $0x2;
	s23 =	smov.u32 s24;
	v7 =	vld [tilespmem:s21+$0xFFFFFFF0];
	[tilespmem:s22+$0x3060 ss:$0x81] =	vst.msk $0xffff, v2  }
.Ltmp3:
0x53: {  	v4 =	vld [tilespmem:s21+$0x0];
	[tilespmem:s22+$0x0 ss:$0x81] =	vst.msk $0xffff, v0;
	s22 =	sadd.s32 s25, s20;
	(pc) =	sbr.rel @p1 .LBB1_3-.Ltmp3, $4  }
0x54: {  	v3 =	vld [tilespmem:s21+$0x10];
	[tilespmem:s22+$0x3870 ss:$0x81] =	vst.msk $0xffff, v1  }
0x55: {  	[tilespmem:s22+$0x810 ss:$0x81] =	vst.msk $0xffff, v5;
	v2 =	vld [tilespmem:s21+$0x20]  }
0x56: {  	v0 =	vld [tilespmem:s21+$0xFFFFFFC0];
	[tilespmem:s22+$0x1020 ss:$0x81] =	vst.msk $0xffff, v6;
	s21 =	sadd.s32 $0x80, s21  }
0x57: {  	s24 =	sadd.s32 $0x4, s24;
	v1 =	vld [tilespmem:s21+$0x30];
	[tilespmem:s22+$0x1830 ss:$0x81] =	vst.msk $0xffff, v7  }
.Ltmp4:
0x58: {  	_ = 	snop;
	(pc) =	sbr.rel .LBB1_4-.Ltmp4, $1  }
0x59: {  	_ =	sdelay $0x3  }
.LBB1_6:
0x5a: {  	_ =	sfence.sel $0x180000  }
0x5b: {  	s2 =	simm.s32 $0x1;
	[bflag:$0x0] =	sbarrier.arrive $0xFFFF  }
0x5c: {  	s31 =	simm.s32 $0x2;
	[sflag:s2] =	ssyncpa.u1 $0x1  }
0x5d: {  	[sflag:s31] =	ssyncpa.u1 $0x1  }
0x5e: {  	p0 =	sne.s32 s1, $0x0;
	_ =	strace $0x90000047  }
0x5f: {  	s0 =	sadd.s32 @!p0 $0x100000, s0;
	[bflag:$0x2] =	sbarrier.arrive $0xFFFF  }
0x60: {  	[sflag:s0] =	ssyncadd.tile.s32 @!p0 $0x1;
	_ =	shalt  }
.Lfunc_end1:
_tile_overlayer_lowered:
.L_overlay_start_2:
0x61: {  	(tag) =	ssettag $0x2  }
0x62: {  	s0 =	rddreg [dreg:$0x0];
	s2 =	stileid.u32  }
0x63: {  	s1 =	rddreg [dreg:$0x1];
	p0 =	sne.s32 s2, $0x0  }
0x64: {  	s3 =	rddreg [dreg:$0x2];
	[bflag:$0x3] =	sbarrier.arrive $0xFFFF;
	s2 =	simm.s32 @!p0 $0x1C01  }
0x65: {  	[timem:s3], [sflag:s2] =	dma.local @!p0 [hbm:s0], s1  }
0x66: {  	s0 =	simm.s32 @!p0 $0x1  }
0x67: {  	_ =	swait.ge @!p0 [sflag:s0], s1  }
0x68: {  	s1 =	ssub.s32 @!p0 $0x0, s1;
	[sflag:s0] =	ssyncset.done @!p0 $0x0  }
0x69: {  	[sflag:s0] =	ssyncadd.s32 @!p0 s1  }
0x6a: {  	[bflag:$0x3] =	sbarrier.arrive $0xFFFF  }
0x6b: {  	_ =	shalt  }

</sc_bundles>
